<compile_context>
chip_gen: v7x
topology: tpu7x:2x2x1
jax: 0.10.2.dev20260603
libtpu: 0.0.44.dev20260713+nightly
codegen_flags: <defaults>
</compile_context>

<pallas_src>
import functools

import jax
import jax.numpy as jnp
from jax import lax
from jax.experimental import pallas as pl
from jax.experimental.pallas import tpu as pltpu
from jax.experimental.pallas import tpu_sc as plsc

NUM_CLASSES = 100000
FEAT = 128
BATCH = 16384

_NC = 2
_NS = 16
_NW = _NC * _NS
_BPW = BATCH // _NW
_CHUNK = 256
_NCH = _BPW // _CHUNK
_LANES = 16
_CSLICES = FEAT // _LANES

_mesh = plsc.VectorSubcoreMesh(core_axis_name="c", subcore_axis_name="s")


@functools.partial(
    pl.kernel,
    mesh=_mesh,
    out_type=jax.ShapeDtypeStruct((BATCH, FEAT), jnp.float32),
    scratch_types=[
        pltpu.VMEM((_BPW,), jnp.int32),
        pltpu.VMEM((_CHUNK, FEAT), jnp.float32),
        pltpu.VMEM((_CHUNK, FEAT), jnp.float32),
        pltpu.VMEM((_CHUNK, FEAT), jnp.float32),
        pltpu.SemaphoreType.DMA,
        pltpu.SemaphoreType.DMA,
        pltpu.SemaphoreType.DMA,
    ],
)
def _noise_sc(y_hbm, mu_hbm, sigma_hbm, eps_hbm, out_hbm,
              idx_v, mu_v, sg_v, ep_v, sem_mu, sem_sg, sem_ep):
    wid = lax.axis_index("s") * _NC + lax.axis_index("c")
    base = wid * _BPW
    pltpu.sync_copy(y_hbm.at[pl.ds(base, _BPW)], idx_v)

    for ch in range(_NCH):
        cbase = base + ch * _CHUNK
        idx_ch = idx_v.at[pl.ds(ch * _CHUNK, _CHUNK)]
        cp_mu = pltpu.async_copy(mu_hbm.at[idx_ch], mu_v, sem_mu)
        cp_sg = pltpu.async_copy(sigma_hbm.at[idx_ch], sg_v, sem_sg)
        cp_mu.wait()
        cp_sg.wait()

        def body(r, carry):
            for c in range(_CSLICES):
                sl = pl.ds(c * _LANES, _LANES)
                mu_v[r, sl] = mu_v[r, sl] + sg_v[r, sl]
            return carry

        lax.fori_loop(0, _CHUNK, body, 0)
        pltpu.sync_copy(mu_v, out_hbm.at[pl.ds(cbase, _CHUNK)])


_EPS_CACHE = []


def _eps_const():
    if not _EPS_CACHE:
        with jax.ensure_compile_time_eval():
            _EPS_CACHE.append(
                jax.random.normal(jax.random.key(42), (BATCH, FEAT), dtype=jnp.float32)
            )
    return _EPS_CACHE[0]


def kernel(y, mu, sigma):
    return _noise_sc(y.astype(jnp.int32), mu, sigma, mu)

# --- scband reference (transcript-rebuilt; emitter-appended) ---
"""Pipeline reference for scband-multi-class-noise-generator-54460185313321 (READ-ONLY COPY).

The authoritative reference and input builder live on the scoring server;
editing this copy changes nothing except your own understanding.
"""

import jax, jax.numpy as jnp
import numpy as np

NUM_CLASSES = 100000
FEAT_DIM = 128
BATCH = 16384

def setup_inputs(seed: int = 0) -> dict:
    key = jax.random.key(seed)
    k1, k2, k3 = jax.random.split(key, 3)
    y = jax.random.randint(k1, (BATCH,), 0, NUM_CLASSES, dtype=jnp.int64 if jax.config.jax_enable_x64 else jnp.int32)
    # learned per-class stats tables [num_classes, feat_dim]
    mu = jax.random.normal(k2, (NUM_CLASSES, FEAT_DIM), dtype=jnp.float32)
    sigma = jax.random.uniform(k3, (NUM_CLASSES, FEAT_DIM), dtype=jnp.float32) * 0.5 + 0.5
    return {"y": y, "mu": mu, "sigma": sigma}

def reference(y, mu, sigma):
    # forward: gather per-class mean/std then sample Normal(batch_mu, batch_sigma)
    batch_mu = jnp.take(mu, y, axis=0)       # [B, feat_dim] embedding lookup
    batch_sigma = jnp.take(sigma, y, axis=0) # [B, feat_dim] embedding lookup
    eps = jax.random.normal(jax.random.key(42), batch_mu.shape, dtype=batch_mu.dtype)
    return batch_mu + batch_sigma * eps

if __name__ == "__main__":
    import jax
    _d = setup_inputs()
    print(jax.jit(kernel)(*tuple(_d.values())))

</pallas_src>

<mosaic_0001>
#map = affine_map<(d0, d1) -> (0)>
#map1 = affine_map<(d0, d1) -> (0, 0)>
module attributes {stable_mosaic.version = 14 : i64} {
  func.func @_noise_sc(%arg0: i32, %arg1: i32, %arg2: memref<16384xi32, #tpu.memory_space<hbm>>, %arg3: memref<100000x128xf32, #tpu.memory_space<hbm>>, %arg4: memref<100000x128xf32, #tpu.memory_space<hbm>>, %arg5: memref<100000x128xf32, #tpu.memory_space<hbm>>, %arg6: memref<16384x128xf32, #tpu.memory_space<hbm>>, %arg7: memref<512xi32, #tpu.memory_space<vmem>>, %arg8: memref<256x128xf32, #tpu.memory_space<vmem>>, %arg9: memref<256x128xf32, #tpu.memory_space<vmem>>, %arg10: memref<256x128xf32, #tpu.memory_space<vmem>>, %arg11: memref<!tpu.dma_semaphore, #tpu.memory_space<semaphore_mem>>, %arg12: memref<!tpu.dma_semaphore, #tpu.memory_space<semaphore_mem>>, %arg13: memref<!tpu.dma_semaphore, #tpu.memory_space<semaphore_mem>>) attributes {dimension_semantics = [#tpu.dimension_semantics<core_parallel>, #tpu.dimension_semantics<subcore_parallel>], iteration_bounds = array<i64: 2, 16>, scalar_prefetch = 0 : i64, scratch_operands = 7 : i64, tpu.core_type = #tpu.core_type<sc_vector_subcore>, window_params = [{transform_indices = #map}, {transform_indices = #map1}, {transform_indices = #map1}, {transform_indices = #map1}, {transform_indices = #map1}]} {
    %mul3A = arith.constant 2 : i32
    %mul3A_0 = arith.muli %arg1, %mul3A : i32
    %add3A = arith.addi %mul3A_0, %arg0 : i32
    %mul3A_1 = arith.constant 512 : i32
    %mul3A_2 = arith.muli %add3A, %mul3A_1 : i32
    "tpu.region"() ({
      %run_scoped3A = tpu.sem_alloc : memref<!tpu.dma_semaphore, #tpu.memory_space<semaphore_mem>>
      %dma_start3A_56 = tpu.memref_slice %arg2[%mul3A_2] : memref<16384xi32, #tpu.memory_space<hbm>> -> memref<512xi32, #tpu.memory_space<hbm>>
      %dma_start3A_57 = tpu.memref_slice %arg2[%mul3A_2] : memref<16384xi32, #tpu.memory_space<hbm>> -> memref<512xi32, #tpu.memory_space<hbm>>
      tpu.enqueue_dma source(%dma_start3A_57 : memref<512xi32, #tpu.memory_space<hbm>>) target(%arg7 : memref<512xi32, #tpu.memory_space<vmem>>) target_semaphore(%run_scoped3A : memref<!tpu.dma_semaphore, #tpu.memory_space<semaphore_mem>>)
      %dma_wait3A_58 = tpu.memref_slice %arg2[%mul3A_2] : memref<16384xi32, #tpu.memory_space<hbm>> -> memref<512xi32, #tpu.memory_space<hbm>>
      %dma_wait3A_59 = tpu.memref_slice %arg2[%mul3A_2] : memref<16384xi32, #tpu.memory_space<hbm>> -> memref<512xi32, #tpu.memory_space<hbm>>
      tpu.wait_dma2 semaphore(%run_scoped3A : memref<!tpu.dma_semaphore, #tpu.memory_space<semaphore_mem>>) src(%dma_wait3A_59 : memref<512xi32, #tpu.memory_space<hbm>>) dst(%arg7 : memref<512xi32, #tpu.memory_space<vmem>>)
      tpu.yield
    }) : () -> ()
    %add3A_3 = arith.constant 0 : i32
    %add3A_4 = arith.addi %mul3A_2, %add3A_3 : i32
    %dma_start3A = arith.constant 0 : i32
    %dma_start3A_5 = tpu.memref_slice %arg7[%dma_start3A] : memref<512xi32, #tpu.memory_space<vmem>> -> memref<256xi32, #tpu.memory_space<vmem>>
    %dma_start3A_6 = arith.constant 0 : i32
    %dma_start3A_7 = arith.constant 0 : i32
    %dma_start3A_8 = tpu.memref_slice %arg3[%dma_start3A_6, %dma_start3A_7] : memref<100000x128xf32, #tpu.memory_space<hbm>> -> memref<100000x128xf32, #tpu.memory_space<hbm>>
    tpu.enqueue_indirect_dma source(%dma_start3A_8 : memref<100000x128xf32, #tpu.memory_space<hbm>>) target(%arg8 : memref<256x128xf32, #tpu.memory_space<vmem>>) offsets(%dma_start3A_5 : memref<256xi32, #tpu.memory_space<vmem>>) semaphore(%arg11 : memref<!tpu.dma_semaphore, #tpu.memory_space<semaphore_mem>>)
    %dma_start3A_9 = arith.constant 0 : i32
    %dma_start3A_10 = tpu.memref_slice %arg7[%dma_start3A_9] : memref<512xi32, #tpu.memory_space<vmem>> -> memref<256xi32, #tpu.memory_space<vmem>>
    %dma_start3A_11 = arith.constant 0 : i32
    %dma_start3A_12 = arith.constant 0 : i32
    %dma_start3A_13 = tpu.memref_slice %arg4[%dma_start3A_11, %dma_start3A_12] : memref<100000x128xf32, #tpu.memory_space<hbm>> -> memref<100000x128xf32, #tpu.memory_space<hbm>>
    tpu.enqueue_indirect_dma source(%dma_start3A_13 : memref<100000x128xf32, #tpu.memory_space<hbm>>) target(%arg9 : memref<256x128xf32, #tpu.memory_space<vmem>>) offsets(%dma_start3A_10 : memref<256xi32, #tpu.memory_space<vmem>>) semaphore(%arg12 : memref<!tpu.dma_semaphore, #tpu.memory_space<semaphore_mem>>)
    %dma_wait3A = arith.constant 0 : i32
    %dma_wait3A_14 = tpu.memref_slice %arg7[%dma_wait3A] : memref<512xi32, #tpu.memory_space<vmem>> -> memref<256xi32, #tpu.memory_space<vmem>>
    %dma_wait3A_15 = arith.constant 0 : i32
    %dma_wait3A_16 = arith.constant 0 : i32
    %dma_wait3A_17 = tpu.memref_slice %arg3[%dma_wait3A_15, %dma_wait3A_16] : memref<100000x128xf32, #tpu.memory_space<hbm>> -> memref<100000x128xf32, #tpu.memory_space<hbm>>
    tpu.wait_indirect_dma semaphore(%arg11 : memref<!tpu.dma_semaphore, #tpu.memory_space<semaphore_mem>>) src(%dma_wait3A_17 : memref<100000x128xf32, #tpu.memory_space<hbm>>) dst(%arg8 : memref<256x128xf32, #tpu.memory_space<vmem>>)
    %dma_wait3A_18 = arith.constant 0 : i32
    %dma_wait3A_19 = tpu.memref_slice %arg7[%dma_wait3A_18] : memref<512xi32, #tpu.memory_space<vmem>> -> memref<256xi32, #tpu.memory_space<vmem>>
    %dma_wait3A_20 = arith.constant 0 : i32
    %dma_wait3A_21 = arith.constant 0 : i32
    %dma_wait3A_22 = tpu.memref_slice %arg4[%dma_wait3A_20, %dma_wait3A_21] : memref<100000x128xf32, #tpu.memory_space<hbm>> -> memref<100000x128xf32, #tpu.memory_space<hbm>>
    tpu.wait_indirect_dma semaphore(%arg12 : memref<!tpu.dma_semaphore, #tpu.memory_space<semaphore_mem>>) src(%dma_wait3A_22 : memref<100000x128xf32, #tpu.memory_space<hbm>>) dst(%arg9 : memref<256x128xf32, #tpu.memory_space<vmem>>)
    %scan3A = arith.constant 0 : i32
    %scan3A_23 = arith.constant 0 : i32
    %scan3A_24 = arith.constant 256 : i32
    %scan3A_25 = arith.addi %scan3A_23, %scan3A_24 : i32
    %scan3A_26 = arith.constant 1 : i32
    scf.for %scan3A_56 = %scan3A_23 to %scan3A_25 step %scan3A_26  : i32 {
      %get3A = arith.index_cast %scan3A_56 : i32 to index
      %get3A_57 = arith.constant 0 : index
      %get3A_58 = tpu.vector_load %arg8[%get3A, %get3A_57] {strides = array<i32>} : memref<256x128xf32, #tpu.memory_space<vmem>>, vector<1x16xf32>,
      %get3A_59 = vector.shape_cast %get3A_58 : vector<1x16xf32> to vector<16xf32>
      %get3A_60 = arith.index_cast %scan3A_56 : i32 to index
      %get3A_61 = arith.constant 0 : index
      %get3A_62 = tpu.vector_load %arg9[%get3A_60, %get3A_61] {strides = array<i32>} : memref<256x128xf32, #tpu.memory_space<vmem>>, vector<1x16xf32>,
      %get3A_63 = vector.shape_cast %get3A_62 : vector<1x16xf32> to vector<16xf32>
      %add3A_64 = arith.addf %get3A_59, %get3A_63 : vector<16xf32>
      %swap3A = arith.index_cast %scan3A_56 : i32 to index
      %swap3A_65 = arith.constant 0 : index
      %swap3A_66 = tpu.vector_load %arg8[%swap3A, %swap3A_65] {strides = array<i32>} : memref<256x128xf32, #tpu.memory_space<vmem>>, vector<1x16xf32>,
      %swap3A_67 = vector.shape_cast %swap3A_66 : vector<1x16xf32> to vector<16xf32>
      %swap3A_68 = vector.shape_cast %add3A_64 : vector<16xf32> to vector<1x16xf32>
      tpu.vector_store %arg8[%swap3A, %swap3A_65], %swap3A_68 {strides = array<i32>} : memref<256x128xf32, #tpu.memory_space<vmem>>, vector<1x16xf32>,
      %get3A_69 = arith.index_cast %scan3A_56 : i32 to index
      %get3A_70 = arith.constant 16 : index
      %get3A_71 = tpu.vector_load %arg8[%get3A_69, %get3A_70] {strides = array<i32>} : memref<256x128xf32, #tpu.memory_space<vmem>>, vector<1x16xf32>,
      %get3A_72 = vector.shape_cast %get3A_71 : vector<1x16xf32> to vector<16xf32>
      %get3A_73 = arith.index_cast %scan3A_56 : i32 to index
      %get3A_74 = arith.constant 16 : index
      %get3A_75 = tpu.vector_load %arg9[%get3A_73, %get3A_74] {strides = array<i32>} : memref<256x128xf32, #tpu.memory_space<vmem>>, vector<1x16xf32>,
      %get3A_76 = vector.shape_cast %get3A_75 : vector<1x16xf32> to vector<16xf32>
      %add3A_77 = arith.addf %get3A_72, %get3A_76 : vector<16xf32>
      %swap3A_78 = arith.index_cast %scan3A_56 : i32 to index
      %swap3A_79 = arith.constant 16 : index
      %swap3A_80 = tpu.vector_load %arg8[%swap3A_78, %swap3A_79] {strides = array<i32>} : memref<256x128xf32, #tpu.memory_space<vmem>>, vector<1x16xf32>,
      %swap3A_81 = vector.shape_cast %swap3A_80 : vector<1x16xf32> to vector<16xf32>
      %swap3A_82 = vector.shape_cast %add3A_77 : vector<16xf32> to vector<1x16xf32>
      tpu.vector_store %arg8[%swap3A_78, %swap3A_79], %swap3A_82 {strides = array<i32>} : memref<256x128xf32, #tpu.memory_space<vmem>>, vector<1x16xf32>,
      %get3A_83 = arith.index_cast %scan3A_56 : i32 to index
      %get3A_84 = arith.constant 32 : index
      %get3A_85 = tpu.vector_load %arg8[%get3A_83, %get3A_84] {strides = array<i32>} : memref<256x128xf32, #tpu.memory_space<vmem>>, vector<1x16xf32>,
      %get3A_86 = vector.shape_cast %get3A_85 : vector<1x16xf32> to vector<16xf32>
      %get3A_87 = arith.index_cast %scan3A_56 : i32 to index
      %get3A_88 = arith.constant 32 : index
      %get3A_89 = tpu.vector_load %arg9[%get3A_87, %get3A_88] {strides = array<i32>} : memref<256x128xf32, #tpu.memory_space<vmem>>, vector<1x16xf32>,
      %get3A_90 = vector.shape_cast %get3A_89 : vector<1x16xf32> to vector<16xf32>
      %add3A_91 = arith.addf %get3A_86, %get3A_90 : vector<16xf32>
      %swap3A_92 = arith.index_cast %scan3A_56 : i32 to index
      %swap3A_93 = arith.constant 32 : index
      %swap3A_94 = tpu.vector_load %arg8[%swap3A_92, %swap3A_93] {strides = array<i32>} : memref<256x128xf32, #tpu.memory_space<vmem>>, vector<1x16xf32>,
      %swap3A_95 = vector.shape_cast %swap3A_94 : vector<1x16xf32> to vector<16xf32>
      %swap3A_96 = vector.shape_cast %add3A_91 : vector<16xf32> to vector<1x16xf32>
      tpu.vector_store %arg8[%swap3A_92, %swap3A_93], %swap3A_96 {strides = array<i32>} : memref<256x128xf32, #tpu.memory_space<vmem>>, vector<1x16xf32>,
      %get3A_97 = arith.index_cast %scan3A_56 : i32 to index
      %get3A_98 = arith.constant 48 : index
      %get3A_99 = tpu.vector_load %arg8[%get3A_97, %get3A_98] {strides = array<i32>} : memref<256x128xf32, #tpu.memory_space<vmem>>, vector<1x16xf32>,
      %get3A_100 = vector.shape_cast %get3A_99 : vector<1x16xf32> to vector<16xf32>
      %get3A_101 = arith.index_cast %scan3A_56 : i32 to index
      %get3A_102 = arith.constant 48 : index
      %get3A_103 = tpu.vector_load %arg9[%get3A_101, %get3A_102] {strides = array<i32>} : memref<256x128xf32, #tpu.memory_space<vmem>>, vector<1x16xf32>,
      %get3A_104 = vector.shape_cast %get3A_103 : vector<1x16xf32> to vector<16xf32>
      %add3A_105 = arith.addf %get3A_100, %get3A_104 : vector<16xf32>
      %swap3A_106 = arith.index_cast %scan3A_56 : i32 to index
      %swap3A_107 = arith.constant 48 : index
      %swap3A_108 = tpu.vector_load %arg8[%swap3A_106, %swap3A_107] {strides = array<i32>} : memref<256x128xf32, #tpu.memory_space<vmem>>, vector<1x16xf32>,
      %swap3A_109 = vector.shape_cast %swap3A_108 : vector<1x16xf32> to vector<16xf32>
      %swap3A_110 = vector.shape_cast %add3A_105 : vector<16xf32> to vector<1x16xf32>
      tpu.vector_store %arg8[%swap3A_106, %swap3A_107], %swap3A_110 {strides = array<i32>} : memref<256x128xf32, #tpu.memory_space<vmem>>, vector<1x16xf32>,
      %get3A_111 = arith.index_cast %scan3A_56 : i32 to index
      %get3A_112 = arith.constant 64 : index
      %get3A_113 = tpu.vector_load %arg8[%get3A_111, %get3A_112] {strides = array<i32>} : memref<256x128xf32, #tpu.memory_space<vmem>>, vector<1x16xf32>,
      %get3A_114 = vector.shape_cast %get3A_113 : vector<1x16xf32> to vector<16xf32>
      %get3A_115 = arith.index_cast %scan3A_56 : i32 to index
      %get3A_116 = arith.constant 64 : index
      %get3A_117 = tpu.vector_load %arg9[%get3A_115, %get3A_116] {strides = array<i32>} : memref<256x128xf32, #tpu.memory_space<vmem>>, vector<1x16xf32>,
      %get3A_118 = vector.shape_cast %get3A_117 : vector<1x16xf32> to vector<16xf32>
      %add3A_119 = arith.addf %get3A_114, %get3A_118 : vector<16xf32>
      %swap3A_120 = arith.index_cast %scan3A_56 : i32 to index
      %swap3A_121 = arith.constant 64 : index
      %swap3A_122 = tpu.vector_load %arg8[%swap3A_120, %swap3A_121] {strides = array<i32>} : memref<256x128xf32, #tpu.memory_space<vmem>>, vector<1x16xf32>,
      %swap3A_123 = vector.shape_cast %swap3A_122 : vector<1x16xf32> to vector<16xf32>
      %swap3A_124 = vector.shape_cast %add3A_119 : vector<16xf32> to vector<1x16xf32>
      tpu.vector_store %arg8[%swap3A_120, %swap3A_121], %swap3A_124 {strides = array<i32>} : memref<256x128xf32, #tpu.memory_space<vmem>>, vector<1x16xf32>,
      %get3A_125 = arith.index_cast %scan3A_56 : i32 to index
      %get3A_126 = arith.constant 80 : index
      %get3A_127 = tpu.vector_load %arg8[%get3A_125, %get3A_126] {strides = array<i32>} : memref<256x128xf32, #tpu.memory_space<vmem>>, vector<1x16xf32>,
      %get3A_128 = vector.shape_cast %get3A_127 : vector<1x16xf32> to vector<16xf32>
      %get3A_129 = arith.index_cast %scan3A_56 : i32 to index
      %get3A_130 = arith.constant 80 : index
      %get3A_131 = tpu.vector_load %arg9[%get3A_129, %get3A_130] {strides = array<i32>} : memref<256x128xf32, #tpu.memory_space<vmem>>, vector<1x16xf32>,
      %get3A_132 = vector.shape_cast %get3A_131 : vector<1x16xf32> to vector<16xf32>
      %add3A_133 = arith.addf %get3A_128, %get3A_132 : vector<16xf32>
      %swap3A_134 = arith.index_cast %scan3A_56 : i32 to index
      %swap3A_135 = arith.constant 80 : index
      %swap3A_136 = tpu.vector_load %arg8[%swap3A_134, %swap3A_135] {strides = array<i32>} : memref<256x128xf32, #tpu.memory_space<vmem>>, vector<1x16xf32>,
      %swap3A_137 = vector.shape_cast %swap3A_136 : vector<1x16xf32> to vector<16xf32>
      %swap3A_138 = vector.shape_cast %add3A_133 : vector<16xf32> to vector<1x16xf32>
      tpu.vector_store %arg8[%swap3A_134, %swap3A_135], %swap3A_138 {strides = array<i32>} : memref<256x128xf32, #tpu.memory_space<vmem>>, vector<1x16xf32>,
      %get3A_139 = arith.index_cast %scan3A_56 : i32 to index
      %get3A_140 = arith.constant 96 : index
      %get3A_141 = tpu.vector_load %arg8[%get3A_139, %get3A_140] {strides = array<i32>} : memref<256x128xf32, #tpu.memory_space<vmem>>, vector<1x16xf32>,
      %get3A_142 = vector.shape_cast %get3A_141 : vector<1x16xf32> to vector<16xf32>
      %get3A_143 = arith.index_cast %scan3A_56 : i32 to index
      %get3A_144 = arith.constant 96 : index
      %get3A_145 = tpu.vector_load %arg9[%get3A_143, %get3A_144] {strides = array<i32>} : memref<256x128xf32, #tpu.memory_space<vmem>>, vector<1x16xf32>,
      %get3A_146 = vector.shape_cast %get3A_145 : vector<1x16xf32> to vector<16xf32>
      %add3A_147 = arith.addf %get3A_142, %get3A_146 : vector<16xf32>
      %swap3A_148 = arith.index_cast %scan3A_56 : i32 to index
      %swap3A_149 = arith.constant 96 : index
      %swap3A_150 = tpu.vector_load %arg8[%swap3A_148, %swap3A_149] {strides = array<i32>} : memref<256x128xf32, #tpu.memory_space<vmem>>, vector<1x16xf32>,
      %swap3A_151 = vector.shape_cast %swap3A_150 : vector<1x16xf32> to vector<16xf32>
      %swap3A_152 = vector.shape_cast %add3A_147 : vector<16xf32> to vector<1x16xf32>
      tpu.vector_store %arg8[%swap3A_148, %swap3A_149], %swap3A_152 {strides = array<i32>} : memref<256x128xf32, #tpu.memory_space<vmem>>, vector<1x16xf32>,
      %get3A_153 = arith.index_cast %scan3A_56 : i32 to index
      %get3A_154 = arith.constant 112 : index
      %get3A_155 = tpu.vector_load %arg8[%get3A_153, %get3A_154] {strides = array<i32>} : memref<256x128xf32, #tpu.memory_space<vmem>>, vector<1x16xf32>,
      %get3A_156 = vector.shape_cast %get3A_155 : vector<1x16xf32> to vector<16xf32>
      %get3A_157 = arith.index_cast %scan3A_56 : i32 to index
      %get3A_158 = arith.constant 112 : index
      %get3A_159 = tpu.vector_load %arg9[%get3A_157, %get3A_158] {strides = array<i32>} : memref<256x128xf32, #tpu.memory_space<vmem>>, vector<1x16xf32>,
      %get3A_160 = vector.shape_cast %get3A_159 : vector<1x16xf32> to vector<16xf32>
      %add3A_161 = arith.addf %get3A_156, %get3A_160 : vector<16xf32>
      %swap3A_162 = arith.index_cast %scan3A_56 : i32 to index
      %swap3A_163 = arith.constant 112 : index
      %swap3A_164 = tpu.vector_load %arg8[%swap3A_162, %swap3A_163] {strides = array<i32>} : memref<256x128xf32, #tpu.memory_space<vmem>>, vector<1x16xf32>,
      %swap3A_165 = vector.shape_cast %swap3A_164 : vector<1x16xf32> to vector<16xf32>
      %swap3A_166 = vector.shape_cast %add3A_161 : vector<16xf32> to vector<1x16xf32>
      tpu.vector_store %arg8[%swap3A_162, %swap3A_163], %swap3A_166 {strides = array<i32>} : memref<256x128xf32, #tpu.memory_space<vmem>>, vector<1x16xf32>,
    }
    %scan3A_27 = arith.constant 256 : i32
    "tpu.region"() ({
      %run_scoped3A = tpu.sem_alloc : memref<!tpu.dma_semaphore, #tpu.memory_space<semaphore_mem>>
      %dma_start3A_56 = arith.constant 0 : i32
      %dma_start3A_57 = tpu.memref_slice %arg6[%add3A_4, %dma_start3A_56] : memref<16384x128xf32, #tpu.memory_space<hbm>> -> memref<256x128xf32, #tpu.memory_space<hbm>>
      %dma_start3A_58 = arith.constant 0 : i32
      %dma_start3A_59 = tpu.memref_slice %arg6[%add3A_4, %dma_start3A_58] : memref<16384x128xf32, #tpu.memory_space<hbm>> -> memref<256x128xf32, #tpu.memory_space<hbm>>
      tpu.enqueue_dma source(%arg8 : memref<256x128xf32, #tpu.memory_space<vmem>>) target(%dma_start3A_59 : memref<256x128xf32, #tpu.memory_space<hbm>>) target_semaphore(%run_scoped3A : memref<!tpu.dma_semaphore, #tpu.memory_space<semaphore_mem>>)
      %dma_wait3A_60 = arith.constant 0 : i32
      %dma_wait3A_61 = tpu.memref_slice %arg6[%add3A_4, %dma_wait3A_60] : memref<16384x128xf32, #tpu.memory_space<hbm>> -> memref<256x128xf32, #tpu.memory_space<hbm>>
      %dma_wait3A_62 = arith.constant 0 : i32
      %dma_wait3A_63 = tpu.memref_slice %arg6[%add3A_4, %dma_wait3A_62] : memref<16384x128xf32, #tpu.memory_space<hbm>> -> memref<256x128xf32, #tpu.memory_space<hbm>>
      tpu.wait_dma2 semaphore(%run_scoped3A : memref<!tpu.dma_semaphore, #tpu.memory_space<semaphore_mem>>) src(%arg8 : memref<256x128xf32, #tpu.memory_space<vmem>>) dst(%dma_wait3A_63 : memref<256x128xf32, #tpu.memory_space<hbm>>)
      tpu.yield
    }) : () -> ()
    %add3A_28 = arith.constant 256 : i32
    %add3A_29 = arith.addi %mul3A_2, %add3A_28 : i32
    %dma_start3A_30 = arith.constant 256 : i32
    %dma_start3A_31 = tpu.memref_slice %arg7[%dma_start3A_30] : memref<512xi32, #tpu.memory_space<vmem>> -> memref<256xi32, #tpu.memory_space<vmem>>
    %dma_start3A_32 = arith.constant 0 : i32
    %dma_start3A_33 = arith.constant 0 : i32
    %dma_start3A_34 = tpu.memref_slice %arg3[%dma_start3A_32, %dma_start3A_33] : memref<100000x128xf32, #tpu.memory_space<hbm>> -> memref<100000x128xf32, #tpu.memory_space<hbm>>
    tpu.enqueue_indirect_dma source(%dma_start3A_34 : memref<100000x128xf32, #tpu.memory_space<hbm>>) target(%arg8 : memref<256x128xf32, #tpu.memory_space<vmem>>) offsets(%dma_start3A_31 : memref<256xi32, #tpu.memory_space<vmem>>) semaphore(%arg11 : memref<!tpu.dma_semaphore, #tpu.memory_space<semaphore_mem>>)
    %dma_start3A_35 = arith.constant 256 : i32
    %dma_start3A_36 = tpu.memref_slice %arg7[%dma_start3A_35] : memref<512xi32, #tpu.memory_space<vmem>> -> memref<256xi32, #tpu.memory_space<vmem>>
    %dma_start3A_37 = arith.constant 0 : i32
    %dma_start3A_38 = arith.constant 0 : i32
    %dma_start3A_39 = tpu.memref_slice %arg4[%dma_start3A_37, %dma_start3A_38] : memref<100000x128xf32, #tpu.memory_space<hbm>> -> memref<100000x128xf32, #tpu.memory_space<hbm>>
    tpu.enqueue_indirect_dma source(%dma_start3A_39 : memref<100000x128xf32, #tpu.memory_space<hbm>>) target(%arg9 : memref<256x128xf32, #tpu.memory_space<vmem>>) offsets(%dma_start3A_36 : memref<256xi32, #tpu.memory_space<vmem>>) semaphore(%arg12 : memref<!tpu.dma_semaphore, #tpu.memory_space<semaphore_mem>>)
    %dma_wait3A_40 = arith.constant 256 : i32
    %dma_wait3A_41 = tpu.memref_slice %arg7[%dma_wait3A_40] : memref<512xi32, #tpu.memory_space<vmem>> -> memref<256xi32, #tpu.memory_space<vmem>>
    %dma_wait3A_42 = arith.constant 0 : i32
    %dma_wait3A_43 = arith.constant 0 : i32
    %dma_wait3A_44 = tpu.memref_slice %arg3[%dma_wait3A_42, %dma_wait3A_43] : memref<100000x128xf32, #tpu.memory_space<hbm>> -> memref<100000x128xf32, #tpu.memory_space<hbm>>
    tpu.wait_indirect_dma semaphore(%arg11 : memref<!tpu.dma_semaphore, #tpu.memory_space<semaphore_mem>>) src(%dma_wait3A_44 : memref<100000x128xf32, #tpu.memory_space<hbm>>) dst(%arg8 : memref<256x128xf32, #tpu.memory_space<vmem>>)
    %dma_wait3A_45 = arith.constant 256 : i32
    %dma_wait3A_46 = tpu.memref_slice %arg7[%dma_wait3A_45] : memref<512xi32, #tpu.memory_space<vmem>> -> memref<256xi32, #tpu.memory_space<vmem>>
    %dma_wait3A_47 = arith.constant 0 : i32
    %dma_wait3A_48 = arith.constant 0 : i32
    %dma_wait3A_49 = tpu.memref_slice %arg4[%dma_wait3A_47, %dma_wait3A_48] : memref<100000x128xf32, #tpu.memory_space<hbm>> -> memref<100000x128xf32, #tpu.memory_space<hbm>>
    tpu.wait_indirect_dma semaphore(%arg12 : memref<!tpu.dma_semaphore, #tpu.memory_space<semaphore_mem>>) src(%dma_wait3A_49 : memref<100000x128xf32, #tpu.memory_space<hbm>>) dst(%arg9 : memref<256x128xf32, #tpu.memory_space<vmem>>)
    %scan3A_50 = arith.constant 0 : i32
    %scan3A_51 = arith.constant 0 : i32
    %scan3A_52 = arith.constant 256 : i32
    %scan3A_53 = arith.addi %scan3A_51, %scan3A_52 : i32
    %scan3A_54 = arith.constant 1 : i32
    scf.for %scan3A_56 = %scan3A_51 to %scan3A_53 step %scan3A_54  : i32 {
      %get3A = arith.index_cast %scan3A_56 : i32 to index
      %get3A_57 = arith.constant 0 : index
      %get3A_58 = tpu.vector_load %arg8[%get3A, %get3A_57] {strides = array<i32>} : memref<256x128xf32, #tpu.memory_space<vmem>>, vector<1x16xf32>,
      %get3A_59 = vector.shape_cast %get3A_58 : vector<1x16xf32> to vector<16xf32>
      %get3A_60 = arith.index_cast %scan3A_56 : i32 to index
      %get3A_61 = arith.constant 0 : index
      %get3A_62 = tpu.vector_load %arg9[%get3A_60, %get3A_61] {strides = array<i32>} : memref<256x128xf32, #tpu.memory_space<vmem>>, vector<1x16xf32>,
      %get3A_63 = vector.shape_cast %get3A_62 : vector<1x16xf32> to vector<16xf32>
      %add3A_64 = arith.addf %get3A_59, %get3A_63 : vector<16xf32>
      %swap3A = arith.index_cast %scan3A_56 : i32 to index
      %swap3A_65 = arith.constant 0 : index
      %swap3A_66 = tpu.vector_load %arg8[%swap3A, %swap3A_65] {strides = array<i32>} : memref<256x128xf32, #tpu.memory_space<vmem>>, vector<1x16xf32>,
      %swap3A_67 = vector.shape_cast %swap3A_66 : vector<1x16xf32> to vector<16xf32>
      %swap3A_68 = vector.shape_cast %add3A_64 : vector<16xf32> to vector<1x16xf32>
      tpu.vector_store %arg8[%swap3A, %swap3A_65], %swap3A_68 {strides = array<i32>} : memref<256x128xf32, #tpu.memory_space<vmem>>, vector<1x16xf32>,
      %get3A_69 = arith.index_cast %scan3A_56 : i32 to index
      %get3A_70 = arith.constant 16 : index
      %get3A_71 = tpu.vector_load %arg8[%get3A_69, %get3A_70] {strides = array<i32>} : memref<256x128xf32, #tpu.memory_space<vmem>>, vector<1x16xf32>,
      %get3A_72 = vector.shape_cast %get3A_71 : vector<1x16xf32> to vector<16xf32>
      %get3A_73 = arith.index_cast %scan3A_56 : i32 to index
      %get3A_74 = arith.constant 16 : index
      %get3A_75 = tpu.vector_load %arg9[%get3A_73, %get3A_74] {strides = array<i32>} : memref<256x128xf32, #tpu.memory_space<vmem>>, vector<1x16xf32>,
      %get3A_76 = vector.shape_cast %get3A_75 : vector<1x16xf32> to vector<16xf32>
      %add3A_77 = arith.addf %get3A_72, %get3A_76 : vector<16xf32>
      %swap3A_78 = arith.index_cast %scan3A_56 : i32 to index
      %swap3A_79 = arith.constant 16 : index
      %swap3A_80 = tpu.vector_load %arg8[%swap3A_78, %swap3A_79] {strides = array<i32>} : memref<256x128xf32, #tpu.memory_space<vmem>>, vector<1x16xf32>,
      %swap3A_81 = vector.shape_cast %swap3A_80 : vector<1x16xf32> to vector<16xf32>
      %swap3A_82 = vector.shape_cast %add3A_77 : vector<16xf32> to vector<1x16xf32>
      tpu.vector_store %arg8[%swap3A_78, %swap3A_79], %swap3A_82 {strides = array<i32>} : memref<256x128xf32, #tpu.memory_space<vmem>>, vector<1x16xf32>,
      %get3A_83 = arith.index_cast %scan3A_56 : i32 to index
      %get3A_84 = arith.constant 32 : index
      %get3A_85 = tpu.vector_load %arg8[%get3A_83, %get3A_84] {strides = array<i32>} : memref<256x128xf32, #tpu.memory_space<vmem>>, vector<1x16xf32>,
      %get3A_86 = vector.shape_cast %get3A_85 : vector<1x16xf32> to vector<16xf32>
      %get3A_87 = arith.index_cast %scan3A_56 : i32 to index
      %get3A_88 = arith.constant 32 : index
      %get3A_89 = tpu.vector_load %arg9[%get3A_87, %get3A_88] {strides = array<i32>} : memref<256x128xf32, #tpu.memory_space<vmem>>, vector<1x16xf32>,
      %get3A_90 = vector.shape_cast %get3A_89 : vector<1x16xf32> to vector<16xf32>
      %add3A_91 = arith.addf %get3A_86, %get3A_90 : vector<16xf32>
      %swap3A_92 = arith.index_cast %scan3A_56 : i32 to index
      %swap3A_93 = arith.constant 32 : index
      %swap3A_94 = tpu.vector_load %arg8[%swap3A_92, %swap3A_93] {strides = array<i32>} : memref<256x128xf32, #tpu.memory_space<vmem>>, vector<1x16xf32>,
      %swap3A_95 = vector.shape_cast %swap3A_94 : vector<1x16xf32> to vector<16xf32>
      %swap3A_96 = vector.shape_cast %add3A_91 : vector<16xf32> to vector<1x16xf32>
      tpu.vector_store %arg8[%swap3A_92, %swap3A_93], %swap3A_96 {strides = array<i32>} : memref<256x128xf32, #tpu.memory_space<vmem>>, vector<1x16xf32>,
      %get3A_97 = arith.index_cast %scan3A_56 : i32 to index
      %get3A_98 = arith.constant 48 : index
      %get3A_99 = tpu.vector_load %arg8[%get3A_97, %get3A_98] {strides = array<i32>} : memref<256x128xf32, #tpu.memory_space<vmem>>, vector<1x16xf32>,
      %get3A_100 = vector.shape_cast %get3A_99 : vector<1x16xf32> to vector<16xf32>
      %get3A_101 = arith.index_cast %scan3A_56 : i32 to index
      %get3A_102 = arith.constant 48 : index
      %get3A_103 = tpu.vector_load %arg9[%get3A_101, %get3A_102] {strides = array<i32>} : memref<256x128xf32, #tpu.memory_space<vmem>>, vector<1x16xf32>,
      %get3A_104 = vector.shape_cast %get3A_103 : vector<1x16xf32> to vector<16xf32>
      %add3A_105 = arith.addf %get3A_100, %get3A_104 : vector<16xf32>
      %swap3A_106 = arith.index_cast %scan3A_56 : i32 to index
      %swap3A_107 = arith.constant 48 : index
      %swap3A_108 = tpu.vector_load %arg8[%swap3A_106, %swap3A_107] {strides = array<i32>} : memref<256x128xf32, #tpu.memory_space<vmem>>, vector<1x16xf32>,
      %swap3A_109 = vector.shape_cast %swap3A_108 : vector<1x16xf32> to vector<16xf32>
      %swap3A_110 = vector.shape_cast %add3A_105 : vector<16xf32> to vector<1x16xf32>
      tpu.vector_store %arg8[%swap3A_106, %swap3A_107], %swap3A_110 {strides = array<i32>} : memref<256x128xf32, #tpu.memory_space<vmem>>, vector<1x16xf32>,
      %get3A_111 = arith.index_cast %scan3A_56 : i32 to index
      %get3A_112 = arith.constant 64 : index
      %get3A_113 = tpu.vector_load %arg8[%get3A_111, %get3A_112] {strides = array<i32>} : memref<256x128xf32, #tpu.memory_space<vmem>>, vector<1x16xf32>,
      %get3A_114 = vector.shape_cast %get3A_113 : vector<1x16xf32> to vector<16xf32>
      %get3A_115 = arith.index_cast %scan3A_56 : i32 to index
      %get3A_116 = arith.constant 64 : index
      %get3A_117 = tpu.vector_load %arg9[%get3A_115, %get3A_116] {strides = array<i32>} : memref<256x128xf32, #tpu.memory_space<vmem>>, vector<1x16xf32>,
      %get3A_118 = vector.shape_cast %get3A_117 : vector<1x16xf32> to vector<16xf32>
      %add3A_119 = arith.addf %get3A_114, %get3A_118 : vector<16xf32>
      %swap3A_120 = arith.index_cast %scan3A_56 : i32 to index
      %swap3A_121 = arith.constant 64 : index
      %swap3A_122 = tpu.vector_load %arg8[%swap3A_120, %swap3A_121] {strides = array<i32>} : memref<256x128xf32, #tpu.memory_space<vmem>>, vector<1x16xf32>,
      %swap3A_123 = vector.shape_cast %swap3A_122 : vector<1x16xf32> to vector<16xf32>
      %swap3A_124 = vector.shape_cast %add3A_119 : vector<16xf32> to vector<1x16xf32>
      tpu.vector_store %arg8[%swap3A_120, %swap3A_121], %swap3A_124 {strides = array<i32>} : memref<256x128xf32, #tpu.memory_space<vmem>>, vector<1x16xf32>,
      %get3A_125 = arith.index_cast %scan3A_56 : i32 to index
      %get3A_126 = arith.constant 80 : index
      %get3A_127 = tpu.vector_load %arg8[%get3A_125, %get3A_126] {strides = array<i32>} : memref<256x128xf32, #tpu.memory_space<vmem>>, vector<1x16xf32>,
      %get3A_128 = vector.shape_cast %get3A_127 : vector<1x16xf32> to vector<16xf32>
      %get3A_129 = arith.index_cast %scan3A_56 : i32 to index
      %get3A_130 = arith.constant 80 : index
      %get3A_131 = tpu.vector_load %arg9[%get3A_129, %get3A_130] {strides = array<i32>} : memref<256x128xf32, #tpu.memory_space<vmem>>, vector<1x16xf32>,
      %get3A_132 = vector.shape_cast %get3A_131 : vector<1x16xf32> to vector<16xf32>
      %add3A_133 = arith.addf %get3A_128, %get3A_132 : vector<16xf32>
      %swap3A_134 = arith.index_cast %scan3A_56 : i32 to index
      %swap3A_135 = arith.constant 80 : index
      %swap3A_136 = tpu.vector_load %arg8[%swap3A_134, %swap3A_135] {strides = array<i32>} : memref<256x128xf32, #tpu.memory_space<vmem>>, vector<1x16xf32>,
      %swap3A_137 = vector.shape_cast %swap3A_136 : vector<1x16xf32> to vector<16xf32>
      %swap3A_138 = vector.shape_cast %add3A_133 : vector<16xf32> to vector<1x16xf32>
      tpu.vector_store %arg8[%swap3A_134, %swap3A_135], %swap3A_138 {strides = array<i32>} : memref<256x128xf32, #tpu.memory_space<vmem>>, vector<1x16xf32>,
      %get3A_139 = arith.index_cast %scan3A_56 : i32 to index
      %get3A_140 = arith.constant 96 : index
      %get3A_141 = tpu.vector_load %arg8[%get3A_139, %get3A_140] {strides = array<i32>} : memref<256x128xf32, #tpu.memory_space<vmem>>, vector<1x16xf32>,
      %get3A_142 = vector.shape_cast %get3A_141 : vector<1x16xf32> to vector<16xf32>
      %get3A_143 = arith.index_cast %scan3A_56 : i32 to index
      %get3A_144 = arith.constant 96 : index
      %get3A_145 = tpu.vector_load %arg9[%get3A_143, %get3A_144] {strides = array<i32>} : memref<256x128xf32, #tpu.memory_space<vmem>>, vector<1x16xf32>,
      %get3A_146 = vector.shape_cast %get3A_145 : vector<1x16xf32> to vector<16xf32>
      %add3A_147 = arith.addf %get3A_142, %get3A_146 : vector<16xf32>
      %swap3A_148 = arith.index_cast %scan3A_56 : i32 to index
      %swap3A_149 = arith.constant 96 : index
      %swap3A_150 = tpu.vector_load %arg8[%swap3A_148, %swap3A_149] {strides = array<i32>} : memref<256x128xf32, #tpu.memory_space<vmem>>, vector<1x16xf32>,
      %swap3A_151 = vector.shape_cast %swap3A_150 : vector<1x16xf32> to vector<16xf32>
      %swap3A_152 = vector.shape_cast %add3A_147 : vector<16xf32> to vector<1x16xf32>
      tpu.vector_store %arg8[%swap3A_148, %swap3A_149], %swap3A_152 {strides = array<i32>} : memref<256x128xf32, #tpu.memory_space<vmem>>, vector<1x16xf32>,
      %get3A_153 = arith.index_cast %scan3A_56 : i32 to index
      %get3A_154 = arith.constant 112 : index
      %get3A_155 = tpu.vector_load %arg8[%get3A_153, %get3A_154] {strides = array<i32>} : memref<256x128xf32, #tpu.memory_space<vmem>>, vector<1x16xf32>,
      %get3A_156 = vector.shape_cast %get3A_155 : vector<1x16xf32> to vector<16xf32>
      %get3A_157 = arith.index_cast %scan3A_56 : i32 to index
      %get3A_158 = arith.constant 112 : index
      %get3A_159 = tpu.vector_load %arg9[%get3A_157, %get3A_158] {strides = array<i32>} : memref<256x128xf32, #tpu.memory_space<vmem>>, vector<1x16xf32>,
      %get3A_160 = vector.shape_cast %get3A_159 : vector<1x16xf32> to vector<16xf32>
      %add3A_161 = arith.addf %get3A_156, %get3A_160 : vector<16xf32>
      %swap3A_162 = arith.index_cast %scan3A_56 : i32 to index
      %swap3A_163 = arith.constant 112 : index
      %swap3A_164 = tpu.vector_load %arg8[%swap3A_162, %swap3A_163] {strides = array<i32>} : memref<256x128xf32, #tpu.memory_space<vmem>>, vector<1x16xf32>,
      %swap3A_165 = vector.shape_cast %swap3A_164 : vector<1x16xf32> to vector<16xf32>
      %swap3A_166 = vector.shape_cast %add3A_161 : vector<16xf32> to vector<1x16xf32>
      tpu.vector_store %arg8[%swap3A_162, %swap3A_163], %swap3A_166 {strides = array<i32>} : memref<256x128xf32, #tpu.memory_space<vmem>>, vector<1x16xf32>,
    }
    %scan3A_55 = arith.constant 256 : i32
    "tpu.region"() ({
      %run_scoped3A = tpu.sem_alloc : memref<!tpu.dma_semaphore, #tpu.memory_space<semaphore_mem>>
      %dma_start3A_56 = arith.constant 0 : i32
      %dma_start3A_57 = tpu.memref_slice %arg6[%add3A_29, %dma_start3A_56] : memref<16384x128xf32, #tpu.memory_space<hbm>> -> memref<256x128xf32, #tpu.memory_space<hbm>>
      %dma_start3A_58 = arith.constant 0 : i32
      %dma_start3A_59 = tpu.memref_slice %arg6[%add3A_29, %dma_start3A_58] : memref<16384x128xf32, #tpu.memory_space<hbm>> -> memref<256x128xf32, #tpu.memory_space<hbm>>
      tpu.enqueue_dma source(%arg8 : memref<256x128xf32, #tpu.memory_space<vmem>>) target(%dma_start3A_59 : memref<256x128xf32, #tpu.memory_space<hbm>>) target_semaphore(%run_scoped3A : memref<!tpu.dma_semaphore, #tpu.memory_space<semaphore_mem>>)
      %dma_wait3A_60 = arith.constant 0 : i32
      %dma_wait3A_61 = tpu.memref_slice %arg6[%add3A_29, %dma_wait3A_60] : memref<16384x128xf32, #tpu.memory_space<hbm>> -> memref<256x128xf32, #tpu.memory_space<hbm>>
      %dma_wait3A_62 = arith.constant 0 : i32
      %dma_wait3A_63 = tpu.memref_slice %arg6[%add3A_29, %dma_wait3A_62] : memref<16384x128xf32, #tpu.memory_space<hbm>> -> memref<256x128xf32, #tpu.memory_space<hbm>>
      tpu.wait_dma2 semaphore(%run_scoped3A : memref<!tpu.dma_semaphore, #tpu.memory_space<semaphore_mem>>) src(%arg8 : memref<256x128xf32, #tpu.memory_space<vmem>>) dst(%dma_wait3A_63 : memref<256x128xf32, #tpu.memory_space<hbm>>)
      tpu.yield
    }) : () -> ()
    return
  }
}

</mosaic_0001>

<sc_bundles>
// kernel: kernel.3.cloned.1.call-start
scs
__scs_entry_jumppad:
0x0: {  	(pc) =	sbr.rel $0x88, $3  }
0x1: {  	(tag) =	ssettag $0x0;
	lr =	simm.s32 $0x1  }
0x2: {  	[smem:$0x3F9E] =	sst lr;
	_ =	strace $0xD0000000  }
0x3: {  	_ = 	snop  }
0x4: {  	_ = 	snop  }
0x5: {  	_ = 	snop  }
0x6: {  	_ = 	snop  }
0x7: {  	_ = 	snop  }
__scs_overlays_trampoline_lowered:
0x8: {  	[smem:$0x3FAD] =	sst s0  }
0x9: {  	[smem:$0x3FAE] =	sst s1  }
0xa: {  	[smem:$0x3FAF] =	sst s2  }
0xb: {  	[smem:$0x3FB0] =	sst s3  }
0xc: {  	[smem:$0x3FB1] =	sst s4  }
0xd: {  	[smem:$0x3FB2] =	sst s5  }
0xe: {  	[smem:$0x3FB3] =	sst s6  }
0xf: {  	[smem:$0x3FB4] =	sst s7  }
0x10: {  	[smem:$0x3FB5] =	sst s8  }
0x11: {  	[smem:$0x3FB6] =	sst s9;
	s0 =	simm.s32 @!p0 $0x0  }
0x12: {  	s1 =	sld [smem:$0x3F9C];
	s0 =	simm.s32 @p0 $0x1  }
0x13: {  	[smem:$0x3FB7] =	sst s0;
	s0 =	simm.s32 @!p1 $0x0  }
0x14: {  	s2 =	sld [smem:$0x3F9B];
	s0 =	simm.s32 @p1 $0x1  }
0x15: {  	[smem:$0x3FB8] =	sst s0;
	s0 =	simm.s32 @!p2 $0x0  }
0x16: {  	s3 =	sld [smem:$0x3FDB];
	s0 =	simm.s32 @p2 $0x1  }
0x17: {  	s4 =	simm.s32 $0x1BF5;
	[smem:$0x3FBA] =	sst s0  }
0x18: {  	s0 =	sld [smem:$0x3F9D];
	_ =	swait.ge [sflag:s4], $0x0  }
0x19: {  	s7 =	sld [smem:$0x3F9E]  }
0x1a: {  	s8 =	sadd.s32 $0xFFFFE003, lr  }
0x1b: {  	s9 =	sadd.s32 $0xFFFFFEF7, lr;
	s5 =	simm.s32 $0xFFFFFFFF;
	p2 =	slt.u32 s8, $0xFFFFF086  }
0x1c: {  	p1 =	slt.u32 s9, $0xF7A;
	s5 =	simm.s32 @!p2 $0x0  }
0x1d: {  	s5 =	simm.s32 @p1 $0x1;
	p0 =	seq.s32 s7, s2  }
0x1e: {  	s7 =	smul.u32 @!p0 $0xF7A, s2;
	p2 =	seq.s32 @!p0 s5, $0x0  }
0x1f: {  	s9 =	smul.u32 $0xF7A, s1;
	s8 =	simm.s32 @!p0 $0x1BF5;
	p2 =	por !p2, p0  }
0x20: {  	[sflag:s8] =	ssyncset.s32 @!p0 $0xFFFFF086;
	s6 =	sadd.s32 @!p0 s3, s7;
	s7 =	simm.s32 @!p0 $0x108  }
0x21: {  	s3 =	sadd.s32 s3, s9;
	s6 =	sadd.s32 @!p0 $0x88, s6;
	s7 =	simm.s32 @p2 $0x1082  }
0x22: {  	[simem:s7], [sflag:s8] =	dma.local @!p0 [hbm:s6], $0xF7A  }
0x23: {  	s9 =	sor.u32 $0xD0000000, s2;
	s6 =	simm.s32 $0x108;
	_ =	swait.ge @!p0 [sflag:s8], $0x0  }
0x24: {  	s3 =	sadd.s32 $0x88, s3;
	s6 =	simm.s32 @!p1 $0x1082;
	[sflag:s4] =	ssyncset.s32 $0xFFFFF086  }
0x25: {  	[simem:s6], [sflag:s4] =	dma.local [hbm:s3], $0xF7A  }
0x26: {  	[smem:$0x3F9E] =	sst s1;
	(tag) =	ssettag s2;
	_ =	strace s9  }
0x27: {  	s1 =	sld [smem:$0x3FAE]  }
0x28: {  	s2 =	sld [smem:$0x3FAF]  }
0x29: {  	s4 =	sld [smem:$0x3FB1]  }
0x2a: {  	p0 =	seq.s32 s5, $0x0;
	s5 =	sld [smem:$0x3FB2]  }
0x2b: {  	s6 =	sld [smem:$0x3FB3]  }
0x2c: {  	s7 =	sld [smem:$0x3FB4]  }
0x2d: {  	s3 =	simm.s32 $0x108;
	s8 =	sld [smem:$0x3FB5]  }
0x2e: {  	s3 =	simm.s32 @!p0 $0x1082;
	s9 =	sld [smem:$0x3FB6]  }
0x2f: {  	lr =	sadd.s32 s0, s3;
	s0 =	sld [smem:$0x3FAD]  }
0x30: {  	s3 =	sld [smem:$0x3FB0]  }
0x31: {  	[smem:$0x3FB9] =	sst s10  }
0x32: {  	s10 =	sld [smem:$0x3FB7];
	_ =	sdelay $0x3  }
0x33: {  	p0 =	seq.s32 s10, $0x1;
	s10 =	sld [smem:$0x3FB9];
	_ =	sdelay $0x3  }
0x34: {  	[smem:$0x3FB9] =	sst s10  }
0x35: {  	s10 =	sld [smem:$0x3FB8];
	_ =	sdelay $0x3  }
0x36: {  	p1 =	seq.s32 s10, $0x1;
	s10 =	sld [smem:$0x3FB9];
	_ =	sdelay $0x3  }
0x37: {  	[smem:$0x3FB9] =	sst s10  }
0x38: {  	s10 =	sld [smem:$0x3FBA]  }
0x39: {  	_ = 	snop;
	(pc) =	sbr.ind lr, $3  }
0x3a: {  	_ = 	snop  }
0x3b: {  	_ = 	snop  }
0x3c: {  	p2 =	seq.s32 s10, $0x1;
	s10 =	sld [smem:$0x3FB9]  }
0x3d: {  	_ =	shalt  }
0x3e: {  	_ =	shalt  }
0x3f: {  	_ =	shalt  }
0x40: {  	_ =	shalt  }
0x41: {  	_ =	shalt  }
0x42: {  	_ =	shalt  }
0x43: {  	_ =	shalt  }
0x44: {  	_ =	shalt  }
0x45: {  	_ =	shalt  }
0x46: {  	_ =	shalt  }
0x47: {  	_ =	shalt  }
0x48: {  	_ =	shalt  }
0x49: {  	_ =	shalt  }
0x4a: {  	_ =	shalt  }
0x4b: {  	_ =	shalt  }
0x4c: {  	_ =	shalt  }
0x4d: {  	_ =	shalt  }
0x4e: {  	_ =	shalt  }
0x4f: {  	_ =	shalt  }
0x50: {  	_ =	shalt  }
0x51: {  	_ =	shalt  }
0x52: {  	_ =	shalt  }
0x53: {  	_ =	shalt  }
0x54: {  	_ =	shalt  }
0x55: {  	_ =	shalt  }
0x56: {  	_ =	shalt  }
0x57: {  	_ =	shalt  }
0x58: {  	_ =	shalt  }
0x59: {  	_ =	shalt  }
0x5a: {  	_ =	shalt  }
0x5b: {  	_ =	shalt  }
0x5c: {  	_ =	shalt  }
0x5d: {  	_ =	shalt  }
0x5e: {  	_ =	shalt  }
0x5f: {  	_ =	shalt  }
0x60: {  	_ =	shalt  }
0x61: {  	_ =	shalt  }
0x62: {  	_ =	shalt  }
0x63: {  	_ =	shalt  }
0x64: {  	_ =	shalt  }
0x65: {  	_ =	shalt  }
0x66: {  	_ =	shalt  }
0x67: {  	_ =	shalt  }
0x68: {  	_ =	shalt  }
0x69: {  	_ =	shalt  }
0x6a: {  	_ =	shalt  }
0x6b: {  	_ =	shalt  }
0x6c: {  	_ =	shalt  }
0x6d: {  	_ =	shalt  }
0x6e: {  	_ =	shalt  }
0x6f: {  	_ =	shalt  }
0x70: {  	_ =	shalt  }
0x71: {  	_ =	shalt  }
0x72: {  	_ =	shalt  }
0x73: {  	_ =	shalt  }
0x74: {  	_ =	shalt  }
0x75: {  	_ =	shalt  }
0x76: {  	_ =	shalt  }
0x77: {  	_ =	shalt  }
0x78: {  	_ =	shalt  }
0x79: {  	_ =	shalt  }
0x7a: {  	_ =	shalt  }
0x7b: {  	_ =	shalt  }
0x7c: {  	_ =	shalt  }
0x7d: {  	_ =	shalt  }
0x7e: {  	_ =	shalt  }
0x7f: {  	_ =	shalt  }
0x80: {  	_ =	shalt  }
0x81: {  	_ =	shalt  }
0x82: {  	_ =	shalt  }
0x83: {  	_ =	shalt  }
0x84: {  	_ =	shalt  }
0x85: {  	_ =	shalt  }
0x86: {  	_ =	shalt  }
0x87: {  	_ =	shalt  }
.Lfunc_end0:
.L_simem_size_0:
called_computation_lowered:
.L_overlay_start_0:
0x88: {  	s2 =	sld [smem:$0x3FD9]  }
0x89: {  	s3 =	sld [smem:$0x3FFE];
	_ =	sdelay $0x1  }
0x8a: {  	s1 =	srdreg.scid  }
0x8b: {  	s0 =	sand.u32 $0x1, s1  }
0x8c: {  	s18 =	sshll.u32 s0, $0xA;
	s2 =	sadd.s32 s3, s2  }
0x8d: {  	s2 =	sadd.s32 s2, s18  }
0x8e: {  	[smem:$0x3FC5] =	sst s2  }
0x8f: {  	_ = 	snop  }
0x90: {  	s2 =	sld [smem:$0x3FC9]  }
0x91: {  	s19 =	sld [smem:$0x3FC8]  }
0x92: {  	s4 =	sld [smem:$0x3FC7]  }
0x93: {  	s5 =	sld [smem:$0x3FD0];
	(tm) =	ssettm $0x1  }
0x94: {  	s6 =	sld [smem:$0x3FFB];
	_ =	sdelay $0x3  }
0x95: {  	_ =	strace s6  }
0x96: {  	s6 =	sld [smem:$0x3FFC];
	_ =	sdelay $0x3  }
0x97: {  	_ =	strace s6  }
0x98: {  	s6 =	sld [smem:$0x3FFD];
	_ =	sdelay $0x3  }
0x99: {  	_ =	strace s6  }
0x9a: {  	_ =	strace $0x8FFFFFFF  }
0x9b: {  	s20 =	sld [smem:$0x3FDB];
	_ =	sdelay $0x1  }
0x9c: {  	s7 =	simm.s32 $_scs_section_size  }
0x9d: {  	s8 =	simm.s32 $_size__tile_overlayer_lowered;
	s9 =	simm.s32 $_tile_overlayer_lowered  }
0x9e: {  	s23 =	simm.s32 $0x1BFF;
	s22 =	sshll.u32 s9, $0x1;
	s6 =	sadd.s32 s7, s20  }
0x9f: {  	s10 =	simm.s32 $0x0;
	s21 =	sshll.u32 s8, $0x1;
	s8 =	sadd.s32 s22, s6  }
0xa0: {  	[timem:s10], [sflag:s23] =	dma.local [hbm:s8], s21  }
0xa1: {  	_ =	swait.ge [sflag:s23], s21  }
0xa2: {  	s7 =	ssub.s32 $0x0, s21;
	[sflag:s23] =	ssyncset.done $0x0  }
0xa3: {  	[sflag:s23] =	ssyncadd.s32 s7;
	_ =	sdelay $0x1  }
0xa4: {  	s24 =	simm.s32 $0x1B8B  }
0xa5: {  	_ =	swait.ge [sflag:s24], $0x1  }
0xa6: {  	[sflag:s24] =	ssyncset.done $0x0  }
0xa7: {  	s25 =	simm.s32 $0x1B8E;
	[sflag:s24] =	ssyncadd.s32 $0xFFFFFFFF  }
0xa8: {  	s26 =	simm.s32 $execute0_lowered;
	[smem:$0x3FD2] =	sst s25  }
0xa9: {  	s7 =	sshll.u32 s26, $0x1;
	_ =	strace $0x80000046;
	[dreg:$0x1] =	wrdreg $0xFFFFFFFF  }
0xaa: {  	s28 =	simm.s32 $_size_execute0_lowered;
	s6 =	sadd.s32 s6, s7;
	[dreg:$0x0] =	wrdreg $0x0  }
0xab: {  	s7 =	sshll.u32 s28, $0x1;
	[dreg:$0x2] =	wrdreg s6  }
0xac: {  	[dreg:$0x3] =	wrdreg s7  }
0xad: {  	[dreg:$0x4] =	wrdreg $0xC0  }
0xae: {  	_ =	task [dreg:s10], $0x5FFFF  }
0xaf: {  	[dreg:$0x1] =	wrdreg $0xFFFFFFFF  }
0xb0: {  	[dreg:$0x0] =	wrdreg $0x60  }
0xb1: {  	[dreg:$0x2] =	wrdreg s2  }
0xb2: {  	[dreg:$0x3] =	wrdreg s19  }
0xb3: {  	[dreg:$0x4] =	wrdreg s4  }
0xb4: {  	[dreg:$0x5] =	wrdreg s5  }
0xb5: {  	[dreg:$0x6] =	wrdreg $0x9  }
0xb6: {  	_ =	task.clear_ibuf [dreg:s10], $0x7FFFF;
	_ =	strace $0x90000046  }
0xb7: {  	s29 =	simm.s32 $0x9;
	_ =	strace $0x80000048  }
0xb8: {  	_ =	swait.ge [sflag:s29], $0x1  }
0xb9: {  	[sflag:s29] =	ssyncadd.s32 $0xFFFFFFFF  }
0xba: {  	_ =	strace $0x90000048  }
0xbb: {  	_ =	sfence  }
0xbc: {  	s30 =	sld [smem:$0x0];
	_ =	sdelay $0x2  }
0xbd: {  	s31 =	sshll.u32 s1, $0xD;
	s1 =	sshrl.u32 s1, $0x2  }
0xbe: {  	s3 =	sand.u32 $0x4000, s31;
	s1 =	sadd.s32 s1, s30  }
0xbf: {  	s0 =	sor.u32 s3, s0;
	s1 =	sshll.u32 s1, $0x11  }
0xc0: {  	s0 =	sor.u32 s1, s0  }
0xc1: {  	s0 =	sadd.s32 $0x8F2B, s0  }
0xc2: {  	[sflag:s0] =	ssyncadd.remote.s32 $0x1  }
0xc3: {  	_ =	sfence.sel $0xFFFF  }
0xc4: {  	[dreg:$0x0] =	wrdreg $0xFFFFFFFF;
	(pc) =	sbr.abs _section_cstart, $3  }
0xc5: {  	[dreg:$0x1] =	wrdreg $0xFFFFFFFF  }
0xc6: {  	_ =	task.clear_ibuf [dreg:s10], $0x2FFFF;
	_ =	strace $0x9FFFFFFF  }
0xc7: {  	(tm) =	ssettm $0x7FFFFFFF  }
tec
execute0_lowered:
.L_overlay_start_1:
0x0: {  	(tag) =	ssettag $0x1  }
0x1: {  	s5 =	rddreg [dreg:$0x0]  }
0x2: {  	s1 =	rddreg [dreg:$0x1]  }
0x3: {  	s2 =	rddreg [dreg:$0x2]  }
0x4: {  	s6 =	rddreg [dreg:$0x3]  }
0x5: {  	s0 =	rddreg [dreg:$0x4];
	s7 =	srdreg.scid  }
0x6: {  	s4 =	simm.s32 $0x0;
	s3 =	stileid.u32;
	s11 =	simm.s32 $0x200  }
0x7: {  	s12 =	simm.s32 $0x8200;
	s13 =	simm.s32 $0x1;
	s14 =	simm.s32 $0x2  }
0x8: {  	s15 =	simm.s32 $0x0;
	s7 =	sand.u32 $0x1, s7;
	[smem:$0x7FF] =	sst s4  }
0x9: {  	s8 =	sshll.u32 s3, $0xA;
	s9 =	sshll.u32 s7, $0x9;
	s7 =	ssub.s32 $0x2, s7  }
0xa: {  	_ =	strace $0x80000047;
	s8 =	sor.u32 s9, s8;
	s31 =	sshrl.u32 s7, $0x1  }
0xb: {  	s10 =	sshrl.u32 s8, $0x3;
	s8 =	sshll.u32 s8, $0x4;
	s9 =	ssub.s32 s7, s31  }
0xc: {  	s5 =	sadd.s32 s5, s10;
	s6 =	sadd.s32 s6, s8;
	s8 =	smax.u32 s9, $0x1  }
0xd: {  	s9 =	simm.s32 $0x3;
	s10 =	simm.s32 $0x100;
	s7 =	sadd.s32 $0x1000, s6  }
.LBB2_1:
0xe: {  	[tilespmem:s4], [sflag:$0x3] =	stream.linear.gather [hbm4b:s5+s4], $0x200, $0x38;
	[tilespmem:$0x10200] =	vst v63  }
0xf: {  	_ =	swait.ge [sflag:s9], $0x200  }
0x10: {  	[sflag:s9] =	ssyncset.done $0x0  }
0x11: {  	[sflag:s9] =	ssyncadd.s32 $0xFFFFFE00  }
0x12: {  	[tilespmem:s11], [sflag:$0x1] =	stream.indirect.gather [hbm4b:s1+s10], $0x80, s4, s10, $0xb8;
	[tilespmem:$0x10200] =	vst v63  }
0x13: {  	_ = 	snop  }
0x14: {  	[tilespmem:s12], [sflag:$0x2] =	stream.indirect.gather [hbm4b:s2+s10], $0x80, s4, s10, $0xb8;
	[tilespmem:$0x10200] =	vst v63  }
0x15: {  	_ =	swait.ge [sflag:s13], $0x8000  }
0x16: {  	[sflag:s13] =	ssyncset.done $0x0  }
0x17: {  	[sflag:s13] =	ssyncadd.s32 $0xFFFF8000  }
0x18: {  	_ =	swait.ge [sflag:s14], $0x8000  }
0x19: {  	[sflag:s14] =	ssyncset.done $0x0  }
0x1a: {  	s16 =	simm.s32 $0x0;
	[sflag:s14] =	ssyncadd.s32 $0xFFFF8000  }
0x1b: {  	v7 =	vld [tilespmem:s16+$0x8200]  }
0x1c: {  	v11 =	vld [tilespmem:s16+$0x8210]  }
0x1d: {  	v5 =	vld [tilespmem:s16+$0x8220]  }
0x1e: {  	v4 =	vld [tilespmem:s16+$0x8230]  }
0x1f: {  	v3 =	vld [tilespmem:s16+$0x8240]  }
0x20: {  	v2 =	vld [tilespmem:s16+$0x8250]  }
0x21: {  	v1 =	vld [tilespmem:s16+$0x8260]  }
0x22: {  	v0 =	vld [tilespmem:s16+$0x8270]  }
0x23: {  	v12 =	vld [tilespmem:s16+$0x200]  }
0x24: {  	v13 =	vld [tilespmem:s16+$0x210]  }
0x25: {  	v10 =	vld [tilespmem:s16+$0x220]  }
0x26: {  	v9 =	vld [tilespmem:s16+$0x230]  }
0x27: {  	v8 =	vld [tilespmem:s16+$0x240]  }
0x28: {  	v6 =	vld [tilespmem:s16+$0x250];
	v12 =	vadd.f32 v7, v12  }
0x29: {  	s17 =	simm.s32 $0x200;
	v11 =	vadd.f32 v11, v13;
	v7 =	vld [tilespmem:s16+$0x260]  }
.LBB2_2:
0x2a: {  	s18 =	sshra.s32 s17, $0x2;
	p0 =	sne.s32 s17, $0x1FE00;
	[tilespmem:s16+$0x200] =	vst v12;
	v5 =	vadd.f32 v5, v10;
	v10 =	vld [tilespmem:s16+$0x270]  }
0x2b: {  	v12 =	vld [tilespmem:s18+$0x8200];
	[tilespmem:s16+$0x210] =	vst v11;
	v4 =	vadd.f32 v4, v9  }
0x2c: {  	v11 =	vld [tilespmem:s18+$0x8210];
	[tilespmem:s16+$0x220] =	vst v5;
	v3 =	vadd.f32 v3, v8  }
0x2d: {  	v5 =	vld [tilespmem:s18+$0x8220];
	[tilespmem:s16+$0x230] =	vst v4;
	v2 =	vadd.f32 v2, v6  }
0x2e: {  	v4 =	vld [tilespmem:s18+$0x8230];
	[tilespmem:s16+$0x240] =	vst v3;
	v1 =	vadd.f32 v1, v7  }
0x2f: {  	v3 =	vld [tilespmem:s18+$0x8240];
	[tilespmem:s16+$0x250] =	vst v2;
	v0 =	vadd.f32 v0, v10  }
0x30: {  	v2 =	vld [tilespmem:s18+$0x8250];
	[tilespmem:s16+$0x260] =	vst v1  }
0x31: {  	v1 =	vld [tilespmem:s18+$0x8260];
	[tilespmem:s16+$0x270] =	vst v0;
	s16 =	smov.u32 s18  }
0x32: {  	v0 =	vld [tilespmem:s16+$0x8270]  }
0x33: {  	v6 =	vld [tilespmem:s16+$0x200]  }
0x34: {  	v7 =	vld [tilespmem:s16+$0x210]  }
.Ltmp0:
0x35: {  	v10 =	vld [tilespmem:s16+$0x220];
	(pc) =	sbr.rel @p0 .LBB2_2-.Ltmp0, $4  }
0x36: {  	v9 =	vld [tilespmem:s16+$0x230]  }
0x37: {  	v8 =	vld [tilespmem:s16+$0x240]  }
0x38: {  	v12 =	vadd.f32 v12, v6;
	v6 =	vld [tilespmem:s16+$0x250]  }
0x39: {  	s17 =	sadd.s32 $0x200, s17;
	v11 =	vadd.f32 v11, v7;
	v7 =	vld [tilespmem:s16+$0x260]  }
0x3a: {  	[tilespmem:s16+$0x200] =	vst v12;
	v5 =	vadd.f32 v5, v10;
	v10 =	vld [tilespmem:s16+$0x270]  }
0x3b: {  	[tilespmem:s16+$0x210] =	vst v11;
	v4 =	vadd.f32 v4, v9  }
0x3c: {  	[tilespmem:s16+$0x220] =	vst v5;
	v3 =	vadd.f32 v3, v8  }
0x3d: {  	[tilespmem:s16+$0x230] =	vst v4;
	v2 =	vadd.f32 v2, v6  }
0x3e: {  	[tilespmem:s16+$0x240] =	vst v3;
	v1 =	vadd.f32 v1, v7  }
0x3f: {  	[tilespmem:s16+$0x250] =	vst v2;
	v0 =	vadd.f32 v0, v10  }
0x40: {  	[tilespmem:s16+$0x260] =	vst v1  }
0x41: {  	s31 =	simm.s32 $0x0;
	[tilespmem:s16+$0x270] =	vst v0  }
0x42: {  	[hbm4b:s6+s31] =	stream.linear.scatter [tilespmem:s11], [sflag:$0x3], $0x8000, $0x38;
	[tilespmem:$0x10200] =	vst v63  }
0x43: {  	_ =	swait.ge [sflag:s9], $0x8000  }
0x44: {  	[sflag:s9] =	ssyncset.done $0x0  }
0x45: {  	[sflag:s9] =	ssyncadd.s32 $0xFFFF8000  }
0x46: {  	[tilespmem:s11], [sflag:$0x1] =	stream.indirect.gather [hbm4b:s1+s10], $0x80, s10, s10, $0xb8;
	[tilespmem:$0x10200] =	vst v63  }
0x47: {  	_ = 	snop  }
0x48: {  	[tilespmem:s12], [sflag:$0x2] =	stream.indirect.gather [hbm4b:s2+s10], $0x80, s10, s10, $0xb8;
	[tilespmem:$0x10200] =	vst v63  }
0x49: {  	_ =	swait.ge [sflag:s13], $0x8000  }
0x4a: {  	[sflag:s13] =	ssyncset.done $0x0  }
0x4b: {  	[sflag:s13] =	ssyncadd.s32 $0xFFFF8000  }
0x4c: {  	_ =	swait.ge [sflag:s14], $0x8000  }
0x4d: {  	[sflag:s14] =	ssyncset.done $0x0  }
0x4e: {  	s16 =	simm.s32 $0x0;
	[sflag:s14] =	ssyncadd.s32 $0xFFFF8000  }
0x4f: {  	v7 =	vld [tilespmem:s16+$0x8200]  }
0x50: {  	v11 =	vld [tilespmem:s16+$0x8210]  }
0x51: {  	v5 =	vld [tilespmem:s16+$0x8220]  }
0x52: {  	v4 =	vld [tilespmem:s16+$0x8230]  }
0x53: {  	v3 =	vld [tilespmem:s16+$0x8240]  }
0x54: {  	v2 =	vld [tilespmem:s16+$0x8250]  }
0x55: {  	v1 =	vld [tilespmem:s16+$0x8260]  }
0x56: {  	v0 =	vld [tilespmem:s16+$0x8270]  }
0x57: {  	v12 =	vld [tilespmem:s16+$0x200]  }
0x58: {  	v13 =	vld [tilespmem:s16+$0x210]  }
0x59: {  	v10 =	vld [tilespmem:s16+$0x220]  }
0x5a: {  	v9 =	vld [tilespmem:s16+$0x230]  }
0x5b: {  	v8 =	vld [tilespmem:s16+$0x240]  }
0x5c: {  	v6 =	vld [tilespmem:s16+$0x250];
	v12 =	vadd.f32 v7, v12  }
0x5d: {  	s17 =	simm.s32 $0x200;
	v11 =	vadd.f32 v11, v13;
	v7 =	vld [tilespmem:s16+$0x260]  }
.LBB2_4:
0x5e: {  	s18 =	sshra.s32 s17, $0x2;
	p0 =	sne.s32 s17, $0x1FE00;
	[tilespmem:s16+$0x200] =	vst v12;
	v5 =	vadd.f32 v5, v10;
	v10 =	vld [tilespmem:s16+$0x270]  }
0x5f: {  	v12 =	vld [tilespmem:s18+$0x8200];
	[tilespmem:s16+$0x210] =	vst v11;
	v4 =	vadd.f32 v4, v9  }
0x60: {  	v11 =	vld [tilespmem:s18+$0x8210];
	[tilespmem:s16+$0x220] =	vst v5;
	v3 =	vadd.f32 v3, v8  }
0x61: {  	v5 =	vld [tilespmem:s18+$0x8220];
	[tilespmem:s16+$0x230] =	vst v4;
	v2 =	vadd.f32 v2, v6  }
0x62: {  	v4 =	vld [tilespmem:s18+$0x8230];
	[tilespmem:s16+$0x240] =	vst v3;
	v1 =	vadd.f32 v1, v7  }
0x63: {  	v3 =	vld [tilespmem:s18+$0x8240];
	[tilespmem:s16+$0x250] =	vst v2;
	v0 =	vadd.f32 v0, v10  }
0x64: {  	v2 =	vld [tilespmem:s18+$0x8250];
	[tilespmem:s16+$0x260] =	vst v1  }
0x65: {  	v1 =	vld [tilespmem:s18+$0x8260];
	[tilespmem:s16+$0x270] =	vst v0;
	s16 =	smov.u32 s18  }
0x66: {  	v0 =	vld [tilespmem:s16+$0x8270]  }
0x67: {  	v6 =	vld [tilespmem:s16+$0x200]  }
0x68: {  	v7 =	vld [tilespmem:s16+$0x210]  }
.Ltmp1:
0x69: {  	v10 =	vld [tilespmem:s16+$0x220];
	(pc) =	sbr.rel @p0 .LBB2_4-.Ltmp1, $4  }
0x6a: {  	v9 =	vld [tilespmem:s16+$0x230]  }
0x6b: {  	v8 =	vld [tilespmem:s16+$0x240]  }
0x6c: {  	v12 =	vadd.f32 v12, v6;
	v6 =	vld [tilespmem:s16+$0x250]  }
0x6d: {  	s17 =	sadd.s32 $0x200, s17;
	v11 =	vadd.f32 v11, v7;
	v7 =	vld [tilespmem:s16+$0x260]  }
0x6e: {  	[tilespmem:s16+$0x200] =	vst v12;
	v5 =	vadd.f32 v5, v10;
	v63 =	vld [tilespmem:s16+$0x270]  }
0x6f: {  	[tilespmem:s16+$0x210] =	vst v11;
	v4 =	vadd.f32 v4, v9  }
0x70: {  	[tilespmem:s16+$0x220] =	vst v5;
	v3 =	vadd.f32 v3, v8  }
0x71: {  	[tilespmem:s16+$0x230] =	vst v4;
	v2 =	vadd.f32 v2, v6  }
0x72: {  	[tilespmem:s16+$0x240] =	vst v3;
	v1 =	vadd.f32 v1, v7  }
0x73: {  	s15 =	sadd.s32 $0x1, s15;
	[tilespmem:s16+$0x250] =	vst v2;
	v0 =	vadd.f32 v0, v63  }
0x74: {  	p0 =	sne.s32 s15, s8;
	[tilespmem:s16+$0x260] =	vst v1  }
.Ltmp2:
0x75: {  	[tilespmem:s16+$0x270] =	vst v0;
	(pc) =	sbr.rel @p0 .LBB2_1-.Ltmp2, $4  }
0x76: {  	[hbm4b:s7+s4] =	stream.linear.scatter [tilespmem:s11], [sflag:$0x3], $0x8000, $0x38;
	[tilespmem:$0x10200] =	vst v63  }
0x77: {  	_ =	swait.ge [sflag:s9], $0x8000  }
0x78: {  	[sflag:s9] =	ssyncset.done $0x0  }
0x79: {  	[sflag:s9] =	ssyncadd.s32 $0xFFFF8000  }
0x7a: {  	_ =	sfence.sel $0x180000  }
0x7b: {  	[bflag:$0x0] =	sbarrier.arrive $0xFFFF  }
0x7c: {  	p0 =	sne.s32 s3, $0x0;
	_ =	strace $0x90000047  }
0x7d: {  	s0 =	sadd.s32 @!p0 $0x100000, s0;
	[bflag:$0x2] =	sbarrier.arrive $0xFFFF  }
0x7e: {  	[sflag:s0] =	ssyncadd.tile.s32 @!p0 $0x1;
	_ =	shalt  }
.Lfunc_end2:
_tile_overlayer_lowered:
.L_overlay_start_2:
0x7f: {  	(tag) =	ssettag $0x2  }
0x80: {  	s0 =	rddreg [dreg:$0x0];
	s2 =	stileid.u32  }
0x81: {  	s1 =	rddreg [dreg:$0x1];
	p0 =	sne.s32 s2, $0x0  }
0x82: {  	s3 =	rddreg [dreg:$0x2];
	[bflag:$0x3] =	sbarrier.arrive $0xFFFF;
	s2 =	simm.s32 @!p0 $0x1C03  }
0x83: {  	[timem:s3], [sflag:s2] =	dma.local @!p0 [hbm:s0], s1  }
0x84: {  	s0 =	simm.s32 @!p0 $0x3  }
0x85: {  	_ =	swait.ge @!p0 [sflag:s0], s1  }
0x86: {  	s1 =	ssub.s32 @!p0 $0x0, s1;
	[sflag:s0] =	ssyncset.done @!p0 $0x0  }
0x87: {  	[sflag:s0] =	ssyncadd.s32 @!p0 s1  }
0x88: {  	[bflag:$0x3] =	sbarrier.arrive $0xFFFF  }
0x89: {  	_ =	shalt  }

</sc_bundles>
